<compile_context>
chip_gen: v7x
topology: tpu7x:2x2x1
jax: 0.10.2.dev20260603
libtpu: 0.0.44.dev20260713+nightly
codegen_flags: <defaults>
</compile_context>

<pallas_src>
import functools

import jax
import jax.numpy as jnp
from jax import lax
from jax.experimental import pallas as pl
from jax.experimental.pallas import tpu as pltpu
from jax.experimental.pallas import tpu_sc as plsc

_B = 4
_S = 8192
_E = 768
_C = 10
_CP = 16
_CLF = 40480
_L = 16
_UNROLL = 4
_SCAN_IT = _S // (_L * _UNROLL)

_mesh = plsc.VectorSubcoreMesh(
    core_axis_name="c", subcore_axis_name="s", num_cores=1
)


@functools.partial(
    pl.kernel,
    mesh=_mesh,
    compiler_params=pltpu.CompilerParams(needs_layout_passes=False),
    out_type=jax.ShapeDtypeStruct((_B, _CP), jnp.float32),
    scratch_types=[
        pltpu.VMEM((_S,), jnp.int32),
        pltpu.VMEM((1, _E), jnp.float32),
        pltpu.VMEM((_E, _CP), jnp.float32),
        pltpu.VMEM((_CP,), jnp.float32),
        pltpu.VMEM((_CP,), jnp.float32),
    ],
)
def _clf_head_sc(x_hbm, h_hbm, w_hbm, b_hbm, out_hbm,
                 xb_v, row_v, w_v, bias_v, ob_v):
    sid = lax.axis_index("s")
    lanes = lax.broadcasted_iota(jnp.int32, (_L,), 0)

    @pl.when(sid < _B)
    def _():
        base = sid * _S
        pltpu.sync_copy(x_hbm.at[pl.ds(base, _S)], xb_v)

        def scan_body(i, a):
            for u in range(_UNROLL):
                off = (i * _UNROLL + u) * _L
                v = xb_v[pl.ds(off, _L)]
                fidx = lanes + (base + off)
                a = a + jnp.where(v == _CLF, fidx + 1, 0)
            return a

        accv = lax.fori_loop(
            0, _SCAN_IT, scan_body, jnp.zeros((_L,), jnp.int32)
        )
        row = jnp.maximum(jnp.sum(accv) - 1, 0)

        pltpu.sync_copy(h_hbm.at[pl.ds(row, 1)], row_v)
        pltpu.sync_copy(w_hbm, w_v)
        pltpu.sync_copy(b_hbm, bias_v)

        def mac_body(kc, a):
            rv = row_v[0, pl.ds(kc * _L, _L)]
            for j in range(_L):
                a = a + rv[j] * w_v[kc * _L + j, :]
            return a

        acc = lax.fori_loop(
            0, _E // _L, mac_body, bias_v[...]
        )
        ob_v[...] = acc
        pltpu.sync_copy(ob_v, out_hbm.at[sid])


def kernel(h, x, W, b):
    h2d = h.reshape(_B * _S, _E)
    xtok = x[..., 0].reshape(-1)
    wp = jnp.pad(W, ((0, 0), (0, _CP - _C)))
    bp = jnp.pad(b, (0, _CP - _C))
    out = _clf_head_sc(xtok, h2d, wp, bp)
    return out[:, :_C]

# --- scband reference (transcript-rebuilt; emitter-appended) ---
"""Pipeline reference for scband-clf-head-67465346286164 (READ-ONLY COPY).

The authoritative reference and input builder live on the scoring server;
editing this copy changes nothing except your own understanding.
"""

import jax, jax.numpy as jnp
import numpy as np

B = 4
S = 8192
N_EMBD = 768
N_CLASS = 10
CLF_TOKEN = 40480


def setup_inputs(seed: int = 0) -> dict:
    key = jax.random.key(seed)
    k1, k2, k3, k4 = jax.random.split(key, 4)
    h = jax.random.normal(k1, (B, S, N_EMBD), dtype=jnp.float32)
    # token ids in [0, CLF_TOKEN) so no accidental clf tokens; second channel is positions
    x_tok = jax.random.randint(k2, (B, S), 0, CLF_TOKEN, dtype=jnp.int32)
    # place the classification token at the end of every sequence
    x_tok = x_tok.at[:, -1].set(CLF_TOKEN)
    x_pos = jnp.broadcast_to(jnp.arange(S, dtype=jnp.int32)[None, :], (B, S))
    x = jnp.stack([x_tok, x_pos], axis=-1)  # [B, S, 2]
    # learned params of the Dense head (kernel stddev 0.02, bias stddev 1.0 per initializers)
    W = jax.random.normal(k3, (N_EMBD, N_CLASS), dtype=jnp.float32) * 0.02
    b = jax.random.normal(k4, (N_CLASS,), dtype=jnp.float32) * 1.0
    return {"h": h, "x": x, "W": W, "b": b}


def reference(h, x, W, b):
    # clf_h = tf.reshape(h, [-1, n_embd])
    clf_h = h.reshape(-1, N_EMBD)
    # flat = tf.reshape(x[..., 0], [-1])
    flat = x[..., 0].reshape(-1)
    # boolean mask selecting positions holding the clf token (gather of matching rows)
    mask = flat == CLF_TOKEN
    # exactly one clf token per sequence by construction: gather that row per batch
    bsz, seqlen = x.shape[0], x.shape[1]
    idx = jnp.argmax(mask.reshape(bsz, seqlen), axis=-1) + jnp.arange(bsz) * seqlen
    clf_h = clf_h[idx]  # [B, N_EMBD]
    # dropout is identity at inference
    clf_logits = clf_h @ W + b
    return clf_logits

if __name__ == "__main__":
    import jax
    _d = setup_inputs()
    print(jax.jit(kernel)(*tuple(_d.values())))

</pallas_src>

<mosaic_0001>
#map = affine_map<(d0, d1) -> (0)>
#map1 = affine_map<(d0, d1) -> (0, 0)>
module attributes {stable_mosaic.version = 14 : i64} {
  func.func @_clf_head_sc(%arg0: i32, %arg1: i32, %arg2: memref<32768xi32, #tpu.memory_space<hbm>>, %arg3: memref<32768x768xf32, #tpu.memory_space<hbm>>, %arg4: memref<768x16xf32, #tpu.memory_space<hbm>>, %arg5: memref<16xf32, #tpu.memory_space<hbm>>, %arg6: memref<4x16xf32, #tpu.memory_space<hbm>>, %arg7: memref<8192xi32, #tpu.memory_space<vmem>>, %arg8: memref<1x768xf32, #tpu.memory_space<vmem>>, %arg9: memref<768x16xf32, #tpu.memory_space<vmem>>, %arg10: memref<16xf32, #tpu.memory_space<vmem>>, %arg11: memref<16xf32, #tpu.memory_space<vmem>>) attributes {dimension_semantics = [#tpu.dimension_semantics<core_parallel>, #tpu.dimension_semantics<subcore_parallel>], iteration_bounds = array<i64: 1, 16>, scalar_prefetch = 0 : i64, scratch_operands = 5 : i64, tpu.core_type = #tpu.core_type<sc_vector_subcore>, window_params = [{transform_indices = #map}, {transform_indices = #map1}, {transform_indices = #map1}, {transform_indices = #map}, {transform_indices = #map1}]} {
    %iota3A = tpu.iota {dimensions = array<i32: 0>} : vector<16xi32>
    %lt3A = arith.constant 4 : i32
    %lt3A_0 = arith.cmpi slt, %arg1, %lt3A : i32
    %convert_element_type3A = arith.extui %lt3A_0 : i1 to i32
    %cond3A = arith.constant 0 : i32
    %cond3A_1 = arith.cmpi ne, %convert_element_type3A, %cond3A : i32
    scf.if %cond3A_1 {
      %mul3A = arith.constant 8192 : i32
      %mul3A_2 = arith.muli %arg1, %mul3A : i32
      "tpu.region"() ({
        %run_scoped3A = tpu.sem_alloc : memref<!tpu.dma_semaphore, #tpu.memory_space<semaphore_mem>>
        %dma_start3A = tpu.memref_slice %arg2[%mul3A_2] : memref<32768xi32, #tpu.memory_space<hbm>> -> memref<8192xi32, #tpu.memory_space<hbm>>
        %dma_start3A_22 = tpu.memref_slice %arg2[%mul3A_2] : memref<32768xi32, #tpu.memory_space<hbm>> -> memref<8192xi32, #tpu.memory_space<hbm>>
        tpu.enqueue_dma source(%dma_start3A_22 : memref<8192xi32, #tpu.memory_space<hbm>>) target(%arg7 : memref<8192xi32, #tpu.memory_space<vmem>>) target_semaphore(%run_scoped3A : memref<!tpu.dma_semaphore, #tpu.memory_space<semaphore_mem>>)
        %dma_wait3A = tpu.memref_slice %arg2[%mul3A_2] : memref<32768xi32, #tpu.memory_space<hbm>> -> memref<8192xi32, #tpu.memory_space<hbm>>
        %dma_wait3A_23 = tpu.memref_slice %arg2[%mul3A_2] : memref<32768xi32, #tpu.memory_space<hbm>> -> memref<8192xi32, #tpu.memory_space<hbm>>
        tpu.wait_dma2 semaphore(%run_scoped3A : memref<!tpu.dma_semaphore, #tpu.memory_space<semaphore_mem>>) src(%dma_wait3A_23 : memref<8192xi32, #tpu.memory_space<hbm>>) dst(%arg7 : memref<8192xi32, #tpu.memory_space<vmem>>)
        tpu.yield
      }) : () -> ()
      %broadcast_in_dim3A = arith.constant 0 : i32
      %broadcast_in_dim3A_3 = vector.broadcast %broadcast_in_dim3A : i32 to vector<16xi32>
      %scan3A = arith.constant 0 : i32
      %scan3A_4 = arith.constant 128 : i32
      %scan3A_5 = arith.addi %scan3A, %scan3A_4 : i32
      %scan3A_6 = arith.constant 1 : i32
      %scan3A_7 = scf.for %scan3A_22 = %scan3A to %scan3A_5 step %scan3A_6 iter_args(%scan3A_23 = %broadcast_in_dim3A_3) -> (vector<16xi32>)  : i32 {
        %mul3A_24 = arith.constant 4 : i32
        %mul3A_25 = arith.muli %scan3A_22, %mul3A_24 : i32
        %add3A = arith.constant 0 : i32
        %add3A_26 = arith.addi %mul3A_25, %add3A : i32
        %mul3A_27 = arith.constant 16 : i32
        %mul3A_28 = arith.muli %add3A_26, %mul3A_27 : i32
        %get3A_29 = arith.index_cast %mul3A_28 : i32 to index
        %get3A_30 = tpu.vector_load %arg7[%get3A_29] {strides = array<i32>} : memref<8192xi32, #tpu.memory_space<vmem>>, vector<16xi32>,
        %add3A_31 = arith.addi %mul3A_2, %mul3A_28 : i32
        %add3A_32 = vector.broadcast %add3A_31 : i32 to vector<16xi32>
        %add3A_33 = arith.addi %iota3A, %add3A_32 : vector<16xi32>
        %eq3A = arith.constant 40480 : i32
        %eq3A_34 = vector.broadcast %eq3A : i32 to vector<16xi32>
        %eq3A_35 = arith.cmpi eq, %get3A_30, %eq3A_34 : vector<16xi32>
        %add3A_36 = arith.constant 1 : i32
        %add3A_37 = vector.broadcast %add3A_36 : i32 to vector<16xi32>
        %add3A_38 = arith.addi %add3A_33, %add3A_37 : vector<16xi32>
        %jit3A = arith.constant 0 : i32
        %broadcast_in_dim3A_39 = vector.broadcast %jit3A : i32 to vector<16xi32>
        %select_n3A = arith.select %eq3A_35, %add3A_38, %broadcast_in_dim3A_39 : vector<16xi1>, vector<16xi32>
        %add3A_40 = arith.addi %scan3A_23, %select_n3A : vector<16xi32>
        %mul3A_41 = arith.constant 4 : i32
        %mul3A_42 = arith.muli %scan3A_22, %mul3A_41 : i32
        %add3A_43 = arith.constant 1 : i32
        %add3A_44 = arith.addi %mul3A_42, %add3A_43 : i32
        %mul3A_45 = arith.constant 16 : i32
        %mul3A_46 = arith.muli %add3A_44, %mul3A_45 : i32
        %get3A_47 = arith.index_cast %mul3A_46 : i32 to index
        %get3A_48 = tpu.vector_load %arg7[%get3A_47] {strides = array<i32>} : memref<8192xi32, #tpu.memory_space<vmem>>, vector<16xi32>,
        %add3A_49 = arith.addi %mul3A_2, %mul3A_46 : i32
        %add3A_50 = vector.broadcast %add3A_49 : i32 to vector<16xi32>
        %add3A_51 = arith.addi %iota3A, %add3A_50 : vector<16xi32>
        %eq3A_52 = arith.constant 40480 : i32
        %eq3A_53 = vector.broadcast %eq3A_52 : i32 to vector<16xi32>
        %eq3A_54 = arith.cmpi eq, %get3A_48, %eq3A_53 : vector<16xi32>
        %add3A_55 = arith.constant 1 : i32
        %add3A_56 = vector.broadcast %add3A_55 : i32 to vector<16xi32>
        %add3A_57 = arith.addi %add3A_51, %add3A_56 : vector<16xi32>
        %jit3A_58 = arith.constant 0 : i32
        %broadcast_in_dim3A_59 = vector.broadcast %jit3A_58 : i32 to vector<16xi32>
        %select_n3A_60 = arith.select %eq3A_54, %add3A_57, %broadcast_in_dim3A_59 : vector<16xi1>, vector<16xi32>
        %add3A_61 = arith.addi %add3A_40, %select_n3A_60 : vector<16xi32>
        %mul3A_62 = arith.constant 4 : i32
        %mul3A_63 = arith.muli %scan3A_22, %mul3A_62 : i32
        %add3A_64 = arith.constant 2 : i32
        %add3A_65 = arith.addi %mul3A_63, %add3A_64 : i32
        %mul3A_66 = arith.constant 16 : i32
        %mul3A_67 = arith.muli %add3A_65, %mul3A_66 : i32
        %get3A_68 = arith.index_cast %mul3A_67 : i32 to index
        %get3A_69 = tpu.vector_load %arg7[%get3A_68] {strides = array<i32>} : memref<8192xi32, #tpu.memory_space<vmem>>, vector<16xi32>,
        %add3A_70 = arith.addi %mul3A_2, %mul3A_67 : i32
        %add3A_71 = vector.broadcast %add3A_70 : i32 to vector<16xi32>
        %add3A_72 = arith.addi %iota3A, %add3A_71 : vector<16xi32>
        %eq3A_73 = arith.constant 40480 : i32
        %eq3A_74 = vector.broadcast %eq3A_73 : i32 to vector<16xi32>
        %eq3A_75 = arith.cmpi eq, %get3A_69, %eq3A_74 : vector<16xi32>
        %add3A_76 = arith.constant 1 : i32
        %add3A_77 = vector.broadcast %add3A_76 : i32 to vector<16xi32>
        %add3A_78 = arith.addi %add3A_72, %add3A_77 : vector<16xi32>
        %jit3A_79 = arith.constant 0 : i32
        %broadcast_in_dim3A_80 = vector.broadcast %jit3A_79 : i32 to vector<16xi32>
        %select_n3A_81 = arith.select %eq3A_75, %add3A_78, %broadcast_in_dim3A_80 : vector<16xi1>, vector<16xi32>
        %add3A_82 = arith.addi %add3A_61, %select_n3A_81 : vector<16xi32>
        %mul3A_83 = arith.constant 4 : i32
        %mul3A_84 = arith.muli %scan3A_22, %mul3A_83 : i32
        %add3A_85 = arith.constant 3 : i32
        %add3A_86 = arith.addi %mul3A_84, %add3A_85 : i32
        %mul3A_87 = arith.constant 16 : i32
        %mul3A_88 = arith.muli %add3A_86, %mul3A_87 : i32
        %get3A_89 = arith.index_cast %mul3A_88 : i32 to index
        %get3A_90 = tpu.vector_load %arg7[%get3A_89] {strides = array<i32>} : memref<8192xi32, #tpu.memory_space<vmem>>, vector<16xi32>,
        %add3A_91 = arith.addi %mul3A_2, %mul3A_88 : i32
        %add3A_92 = vector.broadcast %add3A_91 : i32 to vector<16xi32>
        %add3A_93 = arith.addi %iota3A, %add3A_92 : vector<16xi32>
        %eq3A_94 = arith.constant 40480 : i32
        %eq3A_95 = vector.broadcast %eq3A_94 : i32 to vector<16xi32>
        %eq3A_96 = arith.cmpi eq, %get3A_90, %eq3A_95 : vector<16xi32>
        %add3A_97 = arith.constant 1 : i32
        %add3A_98 = vector.broadcast %add3A_97 : i32 to vector<16xi32>
        %add3A_99 = arith.addi %add3A_93, %add3A_98 : vector<16xi32>
        %jit3A_100 = arith.constant 0 : i32
        %broadcast_in_dim3A_101 = vector.broadcast %jit3A_100 : i32 to vector<16xi32>
        %select_n3A_102 = arith.select %eq3A_96, %add3A_99, %broadcast_in_dim3A_101 : vector<16xi1>, vector<16xi32>
        %add3A_103 = arith.addi %add3A_82, %select_n3A_102 : vector<16xi32>
        scf.yield %add3A_103 : vector<16xi32>
      }
      %scan3A_8 = arith.constant 128 : i32
      %reduce_sum3A = arith.constant true
      %reduce_sum3A_9 = vector.broadcast %reduce_sum3A : i1 to vector<16xi1>
      %reduce_sum3A_10 = tpu.scan <sum>, %scan3A_7 masked %reduce_sum3A_9 : vector<16xi32>, vector<16xi1> -> vector<16xi32>
      %reduce_sum3A_11 = vector.extract %reduce_sum3A_10[15] : i32 from vector<16xi32>
      %sub3A = arith.constant 1 : i32
      %sub3A_12 = arith.subi %reduce_sum3A_11, %sub3A : i32
      %max3A = arith.constant 0 : i32
      %max3A_13 = arith.maxsi %sub3A_12, %max3A : i32
      "tpu.region"() ({
        %run_scoped3A = tpu.sem_alloc : memref<!tpu.dma_semaphore, #tpu.memory_space<semaphore_mem>>
        %dma_start3A = arith.constant 0 : i32
        %dma_start3A_22 = tpu.memref_slice %arg3[%max3A_13, %dma_start3A] : memref<32768x768xf32, #tpu.memory_space<hbm>> -> memref<1x768xf32, #tpu.memory_space<hbm>>
        %dma_start3A_23 = arith.constant 0 : i32
        %dma_start3A_24 = tpu.memref_slice %arg3[%max3A_13, %dma_start3A_23] : memref<32768x768xf32, #tpu.memory_space<hbm>> -> memref<1x768xf32, #tpu.memory_space<hbm>>
        tpu.enqueue_dma source(%dma_start3A_24 : memref<1x768xf32, #tpu.memory_space<hbm>>) target(%arg8 : memref<1x768xf32, #tpu.memory_space<vmem>>) target_semaphore(%run_scoped3A : memref<!tpu.dma_semaphore, #tpu.memory_space<semaphore_mem>>)
        %dma_wait3A = arith.constant 0 : i32
        %dma_wait3A_25 = tpu.memref_slice %arg3[%max3A_13, %dma_wait3A] : memref<32768x768xf32, #tpu.memory_space<hbm>> -> memref<1x768xf32, #tpu.memory_space<hbm>>
        %dma_wait3A_26 = arith.constant 0 : i32
        %dma_wait3A_27 = tpu.memref_slice %arg3[%max3A_13, %dma_wait3A_26] : memref<32768x768xf32, #tpu.memory_space<hbm>> -> memref<1x768xf32, #tpu.memory_space<hbm>>
        tpu.wait_dma2 semaphore(%run_scoped3A : memref<!tpu.dma_semaphore, #tpu.memory_space<semaphore_mem>>) src(%dma_wait3A_27 : memref<1x768xf32, #tpu.memory_space<hbm>>) dst(%arg8 : memref<1x768xf32, #tpu.memory_space<vmem>>)
        tpu.yield
      }) : () -> ()
      "tpu.region"() ({
        %run_scoped3A = tpu.sem_alloc : memref<!tpu.dma_semaphore, #tpu.memory_space<semaphore_mem>>
        tpu.enqueue_dma source(%arg4 : memref<768x16xf32, #tpu.memory_space<hbm>>) target(%arg9 : memref<768x16xf32, #tpu.memory_space<vmem>>) target_semaphore(%run_scoped3A : memref<!tpu.dma_semaphore, #tpu.memory_space<semaphore_mem>>)
        tpu.wait_dma2 semaphore(%run_scoped3A : memref<!tpu.dma_semaphore, #tpu.memory_space<semaphore_mem>>) src(%arg4 : memref<768x16xf32, #tpu.memory_space<hbm>>) dst(%arg9 : memref<768x16xf32, #tpu.memory_space<vmem>>)
        tpu.yield
      }) : () -> ()
      "tpu.region"() ({
        %run_scoped3A = tpu.sem_alloc : memref<!tpu.dma_semaphore, #tpu.memory_space<semaphore_mem>>
        tpu.enqueue_dma source(%arg5 : memref<16xf32, #tpu.memory_space<hbm>>) target(%arg10 : memref<16xf32, #tpu.memory_space<vmem>>) target_semaphore(%run_scoped3A : memref<!tpu.dma_semaphore, #tpu.memory_space<semaphore_mem>>)
        tpu.wait_dma2 semaphore(%run_scoped3A : memref<!tpu.dma_semaphore, #tpu.memory_space<semaphore_mem>>) src(%arg5 : memref<16xf32, #tpu.memory_space<hbm>>) dst(%arg10 : memref<16xf32, #tpu.memory_space<vmem>>)
        tpu.yield
      }) : () -> ()
      %get3A = arith.constant 0 : index
      %get3A_14 = tpu.vector_load %arg10[%get3A] {strides = array<i32>} : memref<16xf32, #tpu.memory_space<vmem>>, vector<16xf32>,
      %scan3A_15 = arith.constant 0 : i32
      %scan3A_16 = arith.constant 48 : i32
      %scan3A_17 = arith.addi %scan3A_15, %scan3A_16 : i32
      %scan3A_18 = arith.constant 1 : i32
      %scan3A_19 = scf.for %scan3A_22 = %scan3A_15 to %scan3A_17 step %scan3A_18 iter_args(%scan3A_23 = %get3A_14) -> (vector<16xf32>)  : i32 {
        %mul3A_24 = arith.constant 16 : i32
        %mul3A_25 = arith.muli %scan3A_22, %mul3A_24 : i32
        %get3A_26 = arith.constant 0 : i32
        %get3A_27 = arith.index_cast %get3A_26 : i32 to index
        %get3A_28 = arith.index_cast %mul3A_25 : i32 to index
        %get3A_29 = tpu.vector_load %arg8[%get3A_27, %get3A_28] {strides = array<i32>} : memref<1x768xf32, #tpu.memory_space<vmem>>, vector<16xf32>,
        %slice3A = vector.extract_strided_slice %get3A_29 {offsets = [0], sizes = [1], strides = [1]} : vector<16xf32> to vector<1xf32>
        %squeeze3A = vector.extract %slice3A[0] : f32 from vector<1xf32>
        %mul3A_30 = arith.constant 16 : i32
        %mul3A_31 = arith.muli %scan3A_22, %mul3A_30 : i32
        %add3A = arith.constant 0 : i32
        %add3A_32 = arith.addi %mul3A_31, %add3A : i32
        %get3A_33 = arith.index_cast %add3A_32 : i32 to index
        %get3A_34 = arith.constant 0 : index
        %get3A_35 = tpu.vector_load %arg9[%get3A_33, %get3A_34] {strides = array<i32>} : memref<768x16xf32, #tpu.memory_space<vmem>>, vector<16xf32>,
        %mul3A_36 = vector.broadcast %squeeze3A : f32 to vector<16xf32>
        %mul3A_37 = arith.mulf %mul3A_36, %get3A_35 : vector<16xf32>
        %add3A_38 = arith.addf %scan3A_23, %mul3A_37 : vector<16xf32>
        %slice3A_39 = vector.extract_strided_slice %get3A_29 {offsets = [1], sizes = [1], strides = [1]} : vector<16xf32> to vector<1xf32>
        %squeeze3A_40 = vector.extract %slice3A_39[0] : f32 from vector<1xf32>
        %mul3A_41 = arith.constant 16 : i32
        %mul3A_42 = arith.muli %scan3A_22, %mul3A_41 : i32
        %add3A_43 = arith.constant 1 : i32
        %add3A_44 = arith.addi %mul3A_42, %add3A_43 : i32
        %get3A_45 = arith.index_cast %add3A_44 : i32 to index
        %get3A_46 = arith.constant 0 : index
        %get3A_47 = tpu.vector_load %arg9[%get3A_45, %get3A_46] {strides = array<i32>} : memref<768x16xf32, #tpu.memory_space<vmem>>, vector<16xf32>,
        %mul3A_48 = vector.broadcast %squeeze3A_40 : f32 to vector<16xf32>
        %mul3A_49 = arith.mulf %mul3A_48, %get3A_47 : vector<16xf32>
        %add3A_50 = arith.addf %add3A_38, %mul3A_49 : vector<16xf32>
        %slice3A_51 = vector.extract_strided_slice %get3A_29 {offsets = [2], sizes = [1], strides = [1]} : vector<16xf32> to vector<1xf32>
        %squeeze3A_52 = vector.extract %slice3A_51[0] : f32 from vector<1xf32>
        %mul3A_53 = arith.constant 16 : i32
        %mul3A_54 = arith.muli %scan3A_22, %mul3A_53 : i32
        %add3A_55 = arith.constant 2 : i32
        %add3A_56 = arith.addi %mul3A_54, %add3A_55 : i32
        %get3A_57 = arith.index_cast %add3A_56 : i32 to index
        %get3A_58 = arith.constant 0 : index
        %get3A_59 = tpu.vector_load %arg9[%get3A_57, %get3A_58] {strides = array<i32>} : memref<768x16xf32, #tpu.memory_space<vmem>>, vector<16xf32>,
        %mul3A_60 = vector.broadcast %squeeze3A_52 : f32 to vector<16xf32>
        %mul3A_61 = arith.mulf %mul3A_60, %get3A_59 : vector<16xf32>
        %add3A_62 = arith.addf %add3A_50, %mul3A_61 : vector<16xf32>
        %slice3A_63 = vector.extract_strided_slice %get3A_29 {offsets = [3], sizes = [1], strides = [1]} : vector<16xf32> to vector<1xf32>
        %squeeze3A_64 = vector.extract %slice3A_63[0] : f32 from vector<1xf32>
        %mul3A_65 = arith.constant 16 : i32
        %mul3A_66 = arith.muli %scan3A_22, %mul3A_65 : i32
        %add3A_67 = arith.constant 3 : i32
        %add3A_68 = arith.addi %mul3A_66, %add3A_67 : i32
        %get3A_69 = arith.index_cast %add3A_68 : i32 to index
        %get3A_70 = arith.constant 0 : index
        %get3A_71 = tpu.vector_load %arg9[%get3A_69, %get3A_70] {strides = array<i32>} : memref<768x16xf32, #tpu.memory_space<vmem>>, vector<16xf32>,
        %mul3A_72 = vector.broadcast %squeeze3A_64 : f32 to vector<16xf32>
        %mul3A_73 = arith.mulf %mul3A_72, %get3A_71 : vector<16xf32>
        %add3A_74 = arith.addf %add3A_62, %mul3A_73 : vector<16xf32>
        %slice3A_75 = vector.extract_strided_slice %get3A_29 {offsets = [4], sizes = [1], strides = [1]} : vector<16xf32> to vector<1xf32>
        %squeeze3A_76 = vector.extract %slice3A_75[0] : f32 from vector<1xf32>
        %mul3A_77 = arith.constant 16 : i32
        %mul3A_78 = arith.muli %scan3A_22, %mul3A_77 : i32
        %add3A_79 = arith.constant 4 : i32
        %add3A_80 = arith.addi %mul3A_78, %add3A_79 : i32
        %get3A_81 = arith.index_cast %add3A_80 : i32 to index
        %get3A_82 = arith.constant 0 : index
        %get3A_83 = tpu.vector_load %arg9[%get3A_81, %get3A_82] {strides = array<i32>} : memref<768x16xf32, #tpu.memory_space<vmem>>, vector<16xf32>,
        %mul3A_84 = vector.broadcast %squeeze3A_76 : f32 to vector<16xf32>
        %mul3A_85 = arith.mulf %mul3A_84, %get3A_83 : vector<16xf32>
        %add3A_86 = arith.addf %add3A_74, %mul3A_85 : vector<16xf32>
        %slice3A_87 = vector.extract_strided_slice %get3A_29 {offsets = [5], sizes = [1], strides = [1]} : vector<16xf32> to vector<1xf32>
        %squeeze3A_88 = vector.extract %slice3A_87[0] : f32 from vector<1xf32>
        %mul3A_89 = arith.constant 16 : i32
        %mul3A_90 = arith.muli %scan3A_22, %mul3A_89 : i32
        %add3A_91 = arith.constant 5 : i32
        %add3A_92 = arith.addi %mul3A_90, %add3A_91 : i32
        %get3A_93 = arith.index_cast %add3A_92 : i32 to index
        %get3A_94 = arith.constant 0 : index
        %get3A_95 = tpu.vector_load %arg9[%get3A_93, %get3A_94] {strides = array<i32>} : memref<768x16xf32, #tpu.memory_space<vmem>>, vector<16xf32>,
        %mul3A_96 = vector.broadcast %squeeze3A_88 : f32 to vector<16xf32>
        %mul3A_97 = arith.mulf %mul3A_96, %get3A_95 : vector<16xf32>
        %add3A_98 = arith.addf %add3A_86, %mul3A_97 : vector<16xf32>
        %slice3A_99 = vector.extract_strided_slice %get3A_29 {offsets = [6], sizes = [1], strides = [1]} : vector<16xf32> to vector<1xf32>
        %squeeze3A_100 = vector.extract %slice3A_99[0] : f32 from vector<1xf32>
        %mul3A_101 = arith.constant 16 : i32
        %mul3A_102 = arith.muli %scan3A_22, %mul3A_101 : i32
        %add3A_103 = arith.constant 6 : i32
        %add3A_104 = arith.addi %mul3A_102, %add3A_103 : i32
        %get3A_105 = arith.index_cast %add3A_104 : i32 to index
        %get3A_106 = arith.constant 0 : index
        %get3A_107 = tpu.vector_load %arg9[%get3A_105, %get3A_106] {strides = array<i32>} : memref<768x16xf32, #tpu.memory_space<vmem>>, vector<16xf32>,
        %mul3A_108 = vector.broadcast %squeeze3A_100 : f32 to vector<16xf32>
        %mul3A_109 = arith.mulf %mul3A_108, %get3A_107 : vector<16xf32>
        %add3A_110 = arith.addf %add3A_98, %mul3A_109 : vector<16xf32>
        %slice3A_111 = vector.extract_strided_slice %get3A_29 {offsets = [7], sizes = [1], strides = [1]} : vector<16xf32> to vector<1xf32>
        %squeeze3A_112 = vector.extract %slice3A_111[0] : f32 from vector<1xf32>
        %mul3A_113 = arith.constant 16 : i32
        %mul3A_114 = arith.muli %scan3A_22, %mul3A_113 : i32
        %add3A_115 = arith.constant 7 : i32
        %add3A_116 = arith.addi %mul3A_114, %add3A_115 : i32
        %get3A_117 = arith.index_cast %add3A_116 : i32 to index
        %get3A_118 = arith.constant 0 : index
        %get3A_119 = tpu.vector_load %arg9[%get3A_117, %get3A_118] {strides = array<i32>} : memref<768x16xf32, #tpu.memory_space<vmem>>, vector<16xf32>,
        %mul3A_120 = vector.broadcast %squeeze3A_112 : f32 to vector<16xf32>
        %mul3A_121 = arith.mulf %mul3A_120, %get3A_119 : vector<16xf32>
        %add3A_122 = arith.addf %add3A_110, %mul3A_121 : vector<16xf32>
        %slice3A_123 = vector.extract_strided_slice %get3A_29 {offsets = [8], sizes = [1], strides = [1]} : vector<16xf32> to vector<1xf32>
        %squeeze3A_124 = vector.extract %slice3A_123[0] : f32 from vector<1xf32>
        %mul3A_125 = arith.constant 16 : i32
        %mul3A_126 = arith.muli %scan3A_22, %mul3A_125 : i32
        %add3A_127 = arith.constant 8 : i32
        %add3A_128 = arith.addi %mul3A_126, %add3A_127 : i32
        %get3A_129 = arith.index_cast %add3A_128 : i32 to index
        %get3A_130 = arith.constant 0 : index
        %get3A_131 = tpu.vector_load %arg9[%get3A_129, %get3A_130] {strides = array<i32>} : memref<768x16xf32, #tpu.memory_space<vmem>>, vector<16xf32>,
        %mul3A_132 = vector.broadcast %squeeze3A_124 : f32 to vector<16xf32>
        %mul3A_133 = arith.mulf %mul3A_132, %get3A_131 : vector<16xf32>
        %add3A_134 = arith.addf %add3A_122, %mul3A_133 : vector<16xf32>
        %slice3A_135 = vector.extract_strided_slice %get3A_29 {offsets = [9], sizes = [1], strides = [1]} : vector<16xf32> to vector<1xf32>
        %squeeze3A_136 = vector.extract %slice3A_135[0] : f32 from vector<1xf32>
        %mul3A_137 = arith.constant 16 : i32
        %mul3A_138 = arith.muli %scan3A_22, %mul3A_137 : i32
        %add3A_139 = arith.constant 9 : i32
        %add3A_140 = arith.addi %mul3A_138, %add3A_139 : i32
        %get3A_141 = arith.index_cast %add3A_140 : i32 to index
        %get3A_142 = arith.constant 0 : index
        %get3A_143 = tpu.vector_load %arg9[%get3A_141, %get3A_142] {strides = array<i32>} : memref<768x16xf32, #tpu.memory_space<vmem>>, vector<16xf32>,
        %mul3A_144 = vector.broadcast %squeeze3A_136 : f32 to vector<16xf32>
        %mul3A_145 = arith.mulf %mul3A_144, %get3A_143 : vector<16xf32>
        %add3A_146 = arith.addf %add3A_134, %mul3A_145 : vector<16xf32>
        %slice3A_147 = vector.extract_strided_slice %get3A_29 {offsets = [10], sizes = [1], strides = [1]} : vector<16xf32> to vector<1xf32>
        %squeeze3A_148 = vector.extract %slice3A_147[0] : f32 from vector<1xf32>
        %mul3A_149 = arith.constant 16 : i32
        %mul3A_150 = arith.muli %scan3A_22, %mul3A_149 : i32
        %add3A_151 = arith.constant 10 : i32
        %add3A_152 = arith.addi %mul3A_150, %add3A_151 : i32
        %get3A_153 = arith.index_cast %add3A_152 : i32 to index
        %get3A_154 = arith.constant 0 : index
        %get3A_155 = tpu.vector_load %arg9[%get3A_153, %get3A_154] {strides = array<i32>} : memref<768x16xf32, #tpu.memory_space<vmem>>, vector<16xf32>,
        %mul3A_156 = vector.broadcast %squeeze3A_148 : f32 to vector<16xf32>
        %mul3A_157 = arith.mulf %mul3A_156, %get3A_155 : vector<16xf32>
        %add3A_158 = arith.addf %add3A_146, %mul3A_157 : vector<16xf32>
        %slice3A_159 = vector.extract_strided_slice %get3A_29 {offsets = [11], sizes = [1], strides = [1]} : vector<16xf32> to vector<1xf32>
        %squeeze3A_160 = vector.extract %slice3A_159[0] : f32 from vector<1xf32>
        %mul3A_161 = arith.constant 16 : i32
        %mul3A_162 = arith.muli %scan3A_22, %mul3A_161 : i32
        %add3A_163 = arith.constant 11 : i32
        %add3A_164 = arith.addi %mul3A_162, %add3A_163 : i32
        %get3A_165 = arith.index_cast %add3A_164 : i32 to index
        %get3A_166 = arith.constant 0 : index
        %get3A_167 = tpu.vector_load %arg9[%get3A_165, %get3A_166] {strides = array<i32>} : memref<768x16xf32, #tpu.memory_space<vmem>>, vector<16xf32>,
        %mul3A_168 = vector.broadcast %squeeze3A_160 : f32 to vector<16xf32>
        %mul3A_169 = arith.mulf %mul3A_168, %get3A_167 : vector<16xf32>
        %add3A_170 = arith.addf %add3A_158, %mul3A_169 : vector<16xf32>
        %slice3A_171 = vector.extract_strided_slice %get3A_29 {offsets = [12], sizes = [1], strides = [1]} : vector<16xf32> to vector<1xf32>
        %squeeze3A_172 = vector.extract %slice3A_171[0] : f32 from vector<1xf32>
        %mul3A_173 = arith.constant 16 : i32
        %mul3A_174 = arith.muli %scan3A_22, %mul3A_173 : i32
        %add3A_175 = arith.constant 12 : i32
        %add3A_176 = arith.addi %mul3A_174, %add3A_175 : i32
        %get3A_177 = arith.index_cast %add3A_176 : i32 to index
        %get3A_178 = arith.constant 0 : index
        %get3A_179 = tpu.vector_load %arg9[%get3A_177, %get3A_178] {strides = array<i32>} : memref<768x16xf32, #tpu.memory_space<vmem>>, vector<16xf32>,
        %mul3A_180 = vector.broadcast %squeeze3A_172 : f32 to vector<16xf32>
        %mul3A_181 = arith.mulf %mul3A_180, %get3A_179 : vector<16xf32>
        %add3A_182 = arith.addf %add3A_170, %mul3A_181 : vector<16xf32>
        %slice3A_183 = vector.extract_strided_slice %get3A_29 {offsets = [13], sizes = [1], strides = [1]} : vector<16xf32> to vector<1xf32>
        %squeeze3A_184 = vector.extract %slice3A_183[0] : f32 from vector<1xf32>
        %mul3A_185 = arith.constant 16 : i32
        %mul3A_186 = arith.muli %scan3A_22, %mul3A_185 : i32
        %add3A_187 = arith.constant 13 : i32
        %add3A_188 = arith.addi %mul3A_186, %add3A_187 : i32
        %get3A_189 = arith.index_cast %add3A_188 : i32 to index
        %get3A_190 = arith.constant 0 : index
        %get3A_191 = tpu.vector_load %arg9[%get3A_189, %get3A_190] {strides = array<i32>} : memref<768x16xf32, #tpu.memory_space<vmem>>, vector<16xf32>,
        %mul3A_192 = vector.broadcast %squeeze3A_184 : f32 to vector<16xf32>
        %mul3A_193 = arith.mulf %mul3A_192, %get3A_191 : vector<16xf32>
        %add3A_194 = arith.addf %add3A_182, %mul3A_193 : vector<16xf32>
        %slice3A_195 = vector.extract_strided_slice %get3A_29 {offsets = [14], sizes = [1], strides = [1]} : vector<16xf32> to vector<1xf32>
        %squeeze3A_196 = vector.extract %slice3A_195[0] : f32 from vector<1xf32>
        %mul3A_197 = arith.constant 16 : i32
        %mul3A_198 = arith.muli %scan3A_22, %mul3A_197 : i32
        %add3A_199 = arith.constant 14 : i32
        %add3A_200 = arith.addi %mul3A_198, %add3A_199 : i32
        %get3A_201 = arith.index_cast %add3A_200 : i32 to index
        %get3A_202 = arith.constant 0 : index
        %get3A_203 = tpu.vector_load %arg9[%get3A_201, %get3A_202] {strides = array<i32>} : memref<768x16xf32, #tpu.memory_space<vmem>>, vector<16xf32>,
        %mul3A_204 = vector.broadcast %squeeze3A_196 : f32 to vector<16xf32>
        %mul3A_205 = arith.mulf %mul3A_204, %get3A_203 : vector<16xf32>
        %add3A_206 = arith.addf %add3A_194, %mul3A_205 : vector<16xf32>
        %slice3A_207 = vector.extract_strided_slice %get3A_29 {offsets = [15], sizes = [1], strides = [1]} : vector<16xf32> to vector<1xf32>
        %squeeze3A_208 = vector.extract %slice3A_207[0] : f32 from vector<1xf32>
        %mul3A_209 = arith.constant 16 : i32
        %mul3A_210 = arith.muli %scan3A_22, %mul3A_209 : i32
        %add3A_211 = arith.constant 15 : i32
        %add3A_212 = arith.addi %mul3A_210, %add3A_211 : i32
        %get3A_213 = arith.index_cast %add3A_212 : i32 to index
        %get3A_214 = arith.constant 0 : index
        %get3A_215 = tpu.vector_load %arg9[%get3A_213, %get3A_214] {strides = array<i32>} : memref<768x16xf32, #tpu.memory_space<vmem>>, vector<16xf32>,
        %mul3A_216 = vector.broadcast %squeeze3A_208 : f32 to vector<16xf32>
        %mul3A_217 = arith.mulf %mul3A_216, %get3A_215 : vector<16xf32>
        %add3A_218 = arith.addf %add3A_206, %mul3A_217 : vector<16xf32>
        scf.yield %add3A_218 : vector<16xf32>
      }
      %scan3A_20 = arith.constant 48 : i32
      %swap3A = arith.constant 0 : index
      %swap3A_21 = tpu.vector_load %arg11[%swap3A] {strides = array<i32>} : memref<16xf32, #tpu.memory_space<vmem>>, vector<16xf32>,
      tpu.vector_store %arg11[%swap3A], %scan3A_19 {strides = array<i32>} : memref<16xf32, #tpu.memory_space<vmem>>, vector<16xf32>,
      "tpu.region"() ({
        %run_scoped3A = tpu.sem_alloc : memref<!tpu.dma_semaphore, #tpu.memory_space<semaphore_mem>>
        %dma_start3A = arith.constant 0 : i32
        %dma_start3A_22 = tpu.memref_slice %arg6[%arg1, %dma_start3A] : memref<4x16xf32, #tpu.memory_space<hbm>> -> memref<1x16xf32, #tpu.memory_space<hbm>>
        %dma_start3A_23 = tpu.memref_squeeze %dma_start3A_22 : memref<1x16xf32, #tpu.memory_space<hbm>> -> memref<16xf32, #tpu.memory_space<hbm>>
        %dma_start3A_24 = arith.constant 0 : i32
        %dma_start3A_25 = tpu.memref_slice %arg6[%arg1, %dma_start3A_24] : memref<4x16xf32, #tpu.memory_space<hbm>> -> memref<1x16xf32, #tpu.memory_space<hbm>>
        %dma_start3A_26 = tpu.memref_squeeze %dma_start3A_25 : memref<1x16xf32, #tpu.memory_space<hbm>> -> memref<16xf32, #tpu.memory_space<hbm>>
        tpu.enqueue_dma source(%arg11 : memref<16xf32, #tpu.memory_space<vmem>>) target(%dma_start3A_26 : memref<16xf32, #tpu.memory_space<hbm>>) target_semaphore(%run_scoped3A : memref<!tpu.dma_semaphore, #tpu.memory_space<semaphore_mem>>)
        %dma_wait3A = arith.constant 0 : i32
        %dma_wait3A_27 = tpu.memref_slice %arg6[%arg1, %dma_wait3A] : memref<4x16xf32, #tpu.memory_space<hbm>> -> memref<1x16xf32, #tpu.memory_space<hbm>>
        %dma_wait3A_28 = tpu.memref_squeeze %dma_wait3A_27 : memref<1x16xf32, #tpu.memory_space<hbm>> -> memref<16xf32, #tpu.memory_space<hbm>>
        %dma_wait3A_29 = arith.constant 0 : i32
        %dma_wait3A_30 = tpu.memref_slice %arg6[%arg1, %dma_wait3A_29] : memref<4x16xf32, #tpu.memory_space<hbm>> -> memref<1x16xf32, #tpu.memory_space<hbm>>
        %dma_wait3A_31 = tpu.memref_squeeze %dma_wait3A_30 : memref<1x16xf32, #tpu.memory_space<hbm>> -> memref<16xf32, #tpu.memory_space<hbm>>
        tpu.wait_dma2 semaphore(%run_scoped3A : memref<!tpu.dma_semaphore, #tpu.memory_space<semaphore_mem>>) src(%arg11 : memref<16xf32, #tpu.memory_space<vmem>>) dst(%dma_wait3A_31 : memref<16xf32, #tpu.memory_space<hbm>>)
        tpu.yield
      }) : () -> ()
    } else {
    }
    return
  }
}

</mosaic_0001>

<sc_bundles>
// kernel: kernel.3.cloned.1.call-start
scs
__scs_entry_jumppad:
0x0: {  	(pc) =	sbr.rel $0x88, $3  }
0x1: {  	(tag) =	ssettag $0x0;
	lr =	simm.s32 $0x1  }
0x2: {  	[smem:$0x3F9D] =	sst lr;
	_ =	strace $0xD0000000  }
0x3: {  	_ = 	snop  }
0x4: {  	_ = 	snop  }
0x5: {  	_ = 	snop  }
0x6: {  	_ = 	snop  }
0x7: {  	_ = 	snop  }
__scs_overlays_trampoline_lowered:
0x8: {  	[smem:$0x3FAC] =	sst s0  }
0x9: {  	[smem:$0x3FAD] =	sst s1  }
0xa: {  	[smem:$0x3FAE] =	sst s2  }
0xb: {  	[smem:$0x3FAF] =	sst s3  }
0xc: {  	[smem:$0x3FB0] =	sst s4  }
0xd: {  	[smem:$0x3FB1] =	sst s5  }
0xe: {  	[smem:$0x3FB2] =	sst s6  }
0xf: {  	[smem:$0x3FB3] =	sst s7  }
0x10: {  	[smem:$0x3FB4] =	sst s8  }
0x11: {  	[smem:$0x3FB5] =	sst s9;
	s0 =	simm.s32 @!p0 $0x0  }
0x12: {  	s1 =	sld [smem:$0x3F9B];
	s0 =	simm.s32 @p0 $0x1  }
0x13: {  	[smem:$0x3FB6] =	sst s0;
	s0 =	simm.s32 @!p1 $0x0  }
0x14: {  	s2 =	sld [smem:$0x3F9A];
	s0 =	simm.s32 @p1 $0x1  }
0x15: {  	[smem:$0x3FB7] =	sst s0;
	s0 =	simm.s32 @!p2 $0x0  }
0x16: {  	s3 =	sld [smem:$0x3FDB];
	s0 =	simm.s32 @p2 $0x1  }
0x17: {  	s4 =	simm.s32 $0x1BF5;
	[smem:$0x3FB9] =	sst s0  }
0x18: {  	s0 =	sld [smem:$0x3F9C];
	_ =	swait.ge [sflag:s4], $0x0  }
0x19: {  	s7 =	sld [smem:$0x3F9D]  }
0x1a: {  	s8 =	sadd.s32 $0xFFFFE003, lr  }
0x1b: {  	s9 =	sadd.s32 $0xFFFFFEF7, lr;
	s5 =	simm.s32 $0xFFFFFFFF;
	p2 =	slt.u32 s8, $0xFFFFF086  }
0x1c: {  	p1 =	slt.u32 s9, $0xF7A;
	s5 =	simm.s32 @!p2 $0x0  }
0x1d: {  	s5 =	simm.s32 @p1 $0x1;
	p0 =	seq.s32 s7, s2  }
0x1e: {  	s7 =	smul.u32 @!p0 $0xF7A, s2;
	p2 =	seq.s32 @!p0 s5, $0x0  }
0x1f: {  	s9 =	smul.u32 $0xF7A, s1;
	s8 =	simm.s32 @!p0 $0x1BF5;
	p2 =	por !p2, p0  }
0x20: {  	[sflag:s8] =	ssyncset.s32 @!p0 $0xFFFFF086;
	s6 =	sadd.s32 @!p0 s3, s7;
	s7 =	simm.s32 @!p0 $0x108  }
0x21: {  	s3 =	sadd.s32 s3, s9;
	s6 =	sadd.s32 @!p0 $0x88, s6;
	s7 =	simm.s32 @p2 $0x1082  }
0x22: {  	[simem:s7], [sflag:s8] =	dma.local @!p0 [hbm:s6], $0xF7A  }
0x23: {  	s9 =	sor.u32 $0xD0000000, s2;
	s6 =	simm.s32 $0x108;
	_ =	swait.ge @!p0 [sflag:s8], $0x0  }
0x24: {  	s3 =	sadd.s32 $0x88, s3;
	s6 =	simm.s32 @!p1 $0x1082;
	[sflag:s4] =	ssyncset.s32 $0xFFFFF086  }
0x25: {  	[simem:s6], [sflag:s4] =	dma.local [hbm:s3], $0xF7A  }
0x26: {  	[smem:$0x3F9D] =	sst s1;
	(tag) =	ssettag s2;
	_ =	strace s9  }
0x27: {  	s1 =	sld [smem:$0x3FAD]  }
0x28: {  	s2 =	sld [smem:$0x3FAE]  }
0x29: {  	s4 =	sld [smem:$0x3FB0]  }
0x2a: {  	p0 =	seq.s32 s5, $0x0;
	s5 =	sld [smem:$0x3FB1]  }
0x2b: {  	s6 =	sld [smem:$0x3FB2]  }
0x2c: {  	s7 =	sld [smem:$0x3FB3]  }
0x2d: {  	s3 =	simm.s32 $0x108;
	s8 =	sld [smem:$0x3FB4]  }
0x2e: {  	s3 =	simm.s32 @!p0 $0x1082;
	s9 =	sld [smem:$0x3FB5]  }
0x2f: {  	lr =	sadd.s32 s0, s3;
	s0 =	sld [smem:$0x3FAC]  }
0x30: {  	s3 =	sld [smem:$0x3FAF]  }
0x31: {  	[smem:$0x3FB8] =	sst s10  }
0x32: {  	s10 =	sld [smem:$0x3FB6];
	_ =	sdelay $0x3  }
0x33: {  	p0 =	seq.s32 s10, $0x1;
	s10 =	sld [smem:$0x3FB8];
	_ =	sdelay $0x3  }
0x34: {  	[smem:$0x3FB8] =	sst s10  }
0x35: {  	s10 =	sld [smem:$0x3FB7];
	_ =	sdelay $0x3  }
0x36: {  	p1 =	seq.s32 s10, $0x1;
	s10 =	sld [smem:$0x3FB8];
	_ =	sdelay $0x3  }
0x37: {  	[smem:$0x3FB8] =	sst s10  }
0x38: {  	s10 =	sld [smem:$0x3FB9]  }
0x39: {  	_ = 	snop;
	(pc) =	sbr.ind lr, $3  }
0x3a: {  	_ = 	snop  }
0x3b: {  	_ = 	snop  }
0x3c: {  	p2 =	seq.s32 s10, $0x1;
	s10 =	sld [smem:$0x3FB8]  }
0x3d: {  	_ =	shalt  }
0x3e: {  	_ =	shalt  }
0x3f: {  	_ =	shalt  }
0x40: {  	_ =	shalt  }
0x41: {  	_ =	shalt  }
0x42: {  	_ =	shalt  }
0x43: {  	_ =	shalt  }
0x44: {  	_ =	shalt  }
0x45: {  	_ =	shalt  }
0x46: {  	_ =	shalt  }
0x47: {  	_ =	shalt  }
0x48: {  	_ =	shalt  }
0x49: {  	_ =	shalt  }
0x4a: {  	_ =	shalt  }
0x4b: {  	_ =	shalt  }
0x4c: {  	_ =	shalt  }
0x4d: {  	_ =	shalt  }
0x4e: {  	_ =	shalt  }
0x4f: {  	_ =	shalt  }
0x50: {  	_ =	shalt  }
0x51: {  	_ =	shalt  }
0x52: {  	_ =	shalt  }
0x53: {  	_ =	shalt  }
0x54: {  	_ =	shalt  }
0x55: {  	_ =	shalt  }
0x56: {  	_ =	shalt  }
0x57: {  	_ =	shalt  }
0x58: {  	_ =	shalt  }
0x59: {  	_ =	shalt  }
0x5a: {  	_ =	shalt  }
0x5b: {  	_ =	shalt  }
0x5c: {  	_ =	shalt  }
0x5d: {  	_ =	shalt  }
0x5e: {  	_ =	shalt  }
0x5f: {  	_ =	shalt  }
0x60: {  	_ =	shalt  }
0x61: {  	_ =	shalt  }
0x62: {  	_ =	shalt  }
0x63: {  	_ =	shalt  }
0x64: {  	_ =	shalt  }
0x65: {  	_ =	shalt  }
0x66: {  	_ =	shalt  }
0x67: {  	_ =	shalt  }
0x68: {  	_ =	shalt  }
0x69: {  	_ =	shalt  }
0x6a: {  	_ =	shalt  }
0x6b: {  	_ =	shalt  }
0x6c: {  	_ =	shalt  }
0x6d: {  	_ =	shalt  }
0x6e: {  	_ =	shalt  }
0x6f: {  	_ =	shalt  }
0x70: {  	_ =	shalt  }
0x71: {  	_ =	shalt  }
0x72: {  	_ =	shalt  }
0x73: {  	_ =	shalt  }
0x74: {  	_ =	shalt  }
0x75: {  	_ =	shalt  }
0x76: {  	_ =	shalt  }
0x77: {  	_ =	shalt  }
0x78: {  	_ =	shalt  }
0x79: {  	_ =	shalt  }
0x7a: {  	_ =	shalt  }
0x7b: {  	_ =	shalt  }
0x7c: {  	_ =	shalt  }
0x7d: {  	_ =	shalt  }
0x7e: {  	_ =	shalt  }
0x7f: {  	_ =	shalt  }
0x80: {  	_ =	shalt  }
0x81: {  	_ =	shalt  }
0x82: {  	_ =	shalt  }
0x83: {  	_ =	shalt  }
0x84: {  	_ =	shalt  }
0x85: {  	_ =	shalt  }
0x86: {  	_ =	shalt  }
0x87: {  	_ =	shalt  }
.Lfunc_end0:
.L_simem_size_0:
called_computation_lowered:
.L_overlay_start_0:
0x88: {  	s0 =	sld [smem:$0x3FD9]  }
0x89: {  	s1 =	sld [smem:$0x3FFE];
	_ =	sdelay $0x3  }
0x8a: {  	s0 =	sadd.s32 s1, s0  }
0x8b: {  	[smem:$0x3FC4] =	sst s0  }
0x8c: {  	_ = 	snop  }
0x8d: {  	s0 =	sld [smem:$0x3FC9]  }
0x8e: {  	s16 =	sld [smem:$0x3FD0];
	(tm) =	ssettm $0x1  }
0x8f: {  	s2 =	sld [smem:$0x3FFB];
	_ =	sdelay $0x3  }
0x90: {  	_ =	strace s2  }
0x91: {  	s2 =	sld [smem:$0x3FFC];
	_ =	sdelay $0x3  }
0x92: {  	_ =	strace s2  }
0x93: {  	s2 =	sld [smem:$0x3FFD];
	_ =	sdelay $0x3  }
0x94: {  	_ =	strace s2  }
0x95: {  	_ =	strace $0x8FFFFFFF  }
0x96: {  	s17 =	sld [smem:$0x3FDB];
	_ =	sdelay $0x1  }
0x97: {  	s3 =	simm.s32 $_scs_section_size  }
0x98: {  	s4 =	simm.s32 $_size__tile_overlayer_lowered;
	s5 =	simm.s32 $_tile_overlayer_lowered  }
0x99: {  	s20 =	simm.s32 $0x1BFF;
	s19 =	sshll.u32 s5, $0x1;
	s2 =	sadd.s32 s3, s17  }
0x9a: {  	s6 =	simm.s32 $0x0;
	s18 =	sshll.u32 s4, $0x1;
	s4 =	sadd.s32 s19, s2  }
0x9b: {  	[timem:s6], [sflag:s20] =	dma.local [hbm:s4], s18  }
0x9c: {  	_ =	swait.ge [sflag:s20], s18  }
0x9d: {  	s3 =	ssub.s32 $0x0, s18;
	[sflag:s20] =	ssyncset.done $0x0  }
0x9e: {  	[sflag:s20] =	ssyncadd.s32 s3;
	_ =	sdelay $0x1  }
0x9f: {  	s21 =	simm.s32 $0x1B8B  }
0xa0: {  	_ =	swait.ge [sflag:s21], $0x1  }
0xa1: {  	[sflag:s21] =	ssyncset.done $0x0  }
0xa2: {  	s23 =	simm.s32 $0x1B8E;
	s22 =	sld [smem:$0x3FFE];
	[sflag:s21] =	ssyncadd.s32 $0xFFFFFFFF  }
0xa3: {  	s24 =	simm.s32 $execute0_lowered;
	[smem:$0x3FD2] =	sst s23  }
0xa4: {  	s4 =	sshll.u32 s24, $0x1;
	_ =	strace $0x80000046;
	[dreg:$0x1] =	wrdreg $0xFFFFFFFF  }
0xa5: {  	s25 =	simm.s32 $_size_execute0_lowered;
	s2 =	sadd.s32 s2, s4;
	[dreg:$0x0] =	wrdreg $0x0  }
0xa6: {  	s4 =	sshll.u32 s25, $0x1;
	[dreg:$0x2] =	wrdreg s2  }
0xa7: {  	[dreg:$0x3] =	wrdreg s4  }
0xa8: {  	[dreg:$0x4] =	wrdreg $0xC0  }
0xa9: {  	_ =	task [dreg:s6], $0x5FFFF  }
0xaa: {  	[dreg:$0x1] =	wrdreg $0xFFFFFFFF  }
0xab: {  	[dreg:$0x0] =	wrdreg $0x60  }
0xac: {  	[dreg:$0x2] =	wrdreg s22  }
0xad: {  	[dreg:$0x3] =	wrdreg s0  }
0xae: {  	[dreg:$0x4] =	wrdreg s16  }
0xaf: {  	[dreg:$0x5] =	wrdreg $0x9  }
0xb0: {  	_ =	task.clear_ibuf [dreg:s6], $0x6FFFF;
	_ =	strace $0x90000046  }
0xb1: {  	s26 =	simm.s32 $0x9;
	_ =	strace $0x80000048  }
0xb2: {  	_ =	swait.ge [sflag:s26], $0x1  }
0xb3: {  	[sflag:s26] =	ssyncadd.s32 $0xFFFFFFFF  }
0xb4: {  	_ =	strace $0x90000048  }
0xb5: {  	_ =	sfence  }
0xb6: {  	s28 =	sld [smem:$0x0];
	_ =	sdelay $0x1  }
0xb7: {  	s29 =	srdreg.scid  }
0xb8: {  	s30 =	sshll.u32 s29, $0xD;
	s31 =	sshrl.u32 s29, $0x2  }
0xb9: {  	s1 =	sand.u32 $0x1, s29;
	s2 =	sand.u32 $0x4000, s30;
	s0 =	sadd.s32 s31, s28  }
0xba: {  	s1 =	sor.u32 s2, s1;
	s0 =	sshll.u32 s0, $0x11  }
0xbb: {  	s0 =	sor.u32 s0, s1  }
0xbc: {  	s0 =	sadd.s32 $0x8F2B, s0  }
0xbd: {  	[sflag:s0] =	ssyncadd.remote.s32 $0x1  }
0xbe: {  	_ =	sfence.sel $0xFFFF  }
0xbf: {  	[dreg:$0x0] =	wrdreg $0xFFFFFFFF;
	(pc) =	sbr.abs _section_cstart, $3  }
0xc0: {  	[dreg:$0x1] =	wrdreg $0xFFFFFFFF  }
0xc1: {  	_ =	task.clear_ibuf [dreg:s6], $0x2FFFF;
	_ =	strace $0x9FFFFFFF  }
0xc2: {  	(tm) =	ssettm $0x7FFFFFFF  }
0xc3: {  	_ =	shalt  }
tec
execute0_lowered:
.L_overlay_start_1:
0x0: {  	(tag) =	ssettag $0x1  }
0x1: {  	s1 =	stileid.u32  }
0x2: {  	p0 =	sgt.u32 s1, $0x3  }
.Ltmp0:
0x3: {  	s4 =	rddreg [dreg:$0x0];
	(pc) =	sbr.rel @p0 .LBB2_6-.Ltmp0, $4  }
0x4: {  	s3 =	rddreg [dreg:$0x1]  }
0x5: {  	s2 =	rddreg [dreg:$0x2];
	s5 =	simm.s32 $0x0  }
0x6: {  	[smem:$0x7FF] =	sst s5  }
0x7: {  	s0 =	rddreg [dreg:$0x3];
	_ =	strace $0x80000047  }
0x8: {  	s6 =	sadd.s32 $0x400, s4;
	s7 =	sshll.u32 s1, $0xA  }
0x9: {  	s29 =	simm.s32 $0x1;
	s6 =	sadd.s32 s6, s7  }
0xa: {  	[tilespmem:s5], [sflag:$0x1] =	stream.linear.gather [hbm4b:s6+s5], $0x2000, $0x38;
	[tilespmem:$0x1A400] =	vst v63  }
0xb: {  	_ =	swait.ge [sflag:s29], $0x2000  }
0xc: {  	[sflag:s29] =	ssyncset.done $0x0  }
0xd: {  	s30 =	simm.s32 $0x20;
	[sflag:s29] =	ssyncadd.s32 $0xFFFFE000  }
0xe: {  	v4 =	vld [tilespmem:s30+$0xFFFFFFE0]  }
0xf: {  	v3 =	vld [tilespmem:s30+$0xFFFFFFF0]  }
0x10: {  	v0 =	vlaneseq.u32;
	s8 =	sshll.u32 s1, $0x4;
	s6 =	sshll.u32 s1, $0xD;
	v1 =	vld [tilespmem:s30+$0x0]  }
0x11: {  	v0 =	vadd.s32 $0x1, v0;
	s2 =	sadd.s32 s2, s8;
	s7 =	simm.s32 $0x40;
	s9 =	sadd.s32 $0x0, s6;
	v2 =	vld [tilespmem:s30+$0x10]  }
0x12: {  	v5 =	vimm.s32 $0x0;
	s8 =	simm.s32 $0x60;
	v7 =	vor.u32 s9, v0;
	s31 =	sadd.s32 $0x20, s9;
	s10 =	sadd.s32 $0x30, s9  }
0x13: {  	s5 =	sadd.s32 $0x1400, s4;
	s4 =	sadd.s32 $0x4400, s4;
	s9 =	sadd.s32 $0x10, s9;
	v6 =	vor.u32 s31, v0;
	vm0 =	veq.s32 v4, $0x9E20;
	v4 =	vadd.s32 s10, v0  }
.LBB2_2:
0x14: {  	v8 =	vld [tilespmem:s8+$0xFFFFFFE0];
	p0 =	sne.s32 s7, $0x1FC0;
	v7 =	vnsel vm0, $0x0, v7;
	vm0 =	veq.s32 v3, $0x9E20;
	v9 =	vadd.s32 s9, v0;
	s9 =	smov.u32 s7;
	s7 =	sadd.s32 $0x40, s7  }
.Ltmp1:
0x15: {  	v3 =	vld [tilespmem:s8+$0xFFFFFFF0];
	v5 =	vadd.s32 v5, v7;
	v7 =	vnsel vm0, $0x0, v9;
	vm0 =	veq.s32 v1, $0x9E20;
	(pc) =	sbr.rel @p0 .LBB2_2-.Ltmp1, $4  }
0x16: {  	v1 =	vld [tilespmem:s8+$0x0];
	v5 =	vadd.s32 v7, v5;
	v6 =	vnsel vm0, $0x0, v6;
	vm0 =	veq.s32 v2, $0x9E20  }
0x17: {  	s9 =	sadd.s32 s9, s6;
	v2 =	vld [tilespmem:s8+$0x10];
	v5 =	vadd.s32 v6, v5;
	v4 =	vnsel vm0, $0x0, v4  }
0x18: {  	v7 =	vor.u32 s9, v0;
	s10 =	sadd.s32 $0x20, s9;
	s11 =	sadd.s32 $0x30, s9;
	v5 =	vadd.s32 v4, v5  }
0x19: {  	s9 =	sadd.s32 $0x10, s9;
	v6 =	vor.u32 s10, v0;
	s8 =	sadd.s32 $0x40, s8;
	v4 =	vadd.s32 s11, v0;
	vm0 =	veq.s32 v8, $0x9E20  }
0x1a: {  	v7 =	vnsel vm0, $0x0, v7;
	vm13 =	veq.s32 v3, $0x9E20;
	v0 =	vadd.s32 s9, v0  }
0x1b: {  	v3 =	vadd.s32 v5, v7;
	v0 =	vnsel vm13, $0x0, v0;
	vm14 =	veq.s32 v1, $0x9E20  }
0x1c: {  	v0 =	vadd.s32 v0, v3;
	v1 =	vnsel vm14, $0x0, v6;
	vm15 =	veq.s32 v2, $0x9E20  }
0x1d: {  	v0 =	vadd.s32 v1, v0;
	v1 =	vnsel vm15, $0x0, v4  }
0x1e: {  	v0 =	vadd.s32 v1, v0  }
0x1f: {  	(xrf0) =	vadd.scan.msk.s32 $0xffff, v0;
	_ =	sdelay $0x5  }
0x20: {  	v0, _, _ =	vpop (xrf0)  }
0x21: {  	(v2sf) =	vpush v0, $0xF;
	_ =	sdelay $0xe  }
0x22: {  	s6 =	spop (v2sf)  }
0x23: {  	s6 =	sadd.s32 $0xFFFFFFFF, s6  }
0x24: {  	p0 =	sgt.s32 s6, $0x0  }
0x25: {  	s6 =	simm.s32 @!p0 $0x0  }
0x26: {  	s7 =	sshrl.u32 s6, $0x3  }
0x27: {  	s6 =	sshll.u32 s6, $0x7;
	s7 =	smul.u32 $0x1800, s7  }
0x28: {  	s6 =	sand.u32 $0x380, s6  }
0x29: {  	s6 =	sor.u32 s6, s7  }
0x2a: {  	s24 =	simm.s32 $0x80;
	s25 =	simm.s32 $0x400;
	s6 =	sshrl.u32 s6, $0x3  }
0x2b: {  	s8 =	simm.s32 $0x2000;
	s26 =	simm.s32 $0x1;
	s3 =	sadd.s32 s3, s6  }
0x2c: {  	[tilespmem:s8], [sflag:$0x1] =	stream.strided.gather [hbm4b:s3+s24], $0x300, s25, s24, $0x38;
	[tilespmem:$0x1A400] =	vst v63  }
0x2d: {  	_ =	swait.ge [sflag:s26], $0x300  }
0x2e: {  	[sflag:s26] =	ssyncset.done $0x0  }
0x2f: {  	s28 =	simm.s32 $0x0;
	s29 =	simm.s32 $0x2300;
	[sflag:s26] =	ssyncadd.s32 $0xFFFFFD00  }
0x30: {  	[tilespmem:s29], [sflag:$0x1] =	stream.linear.gather [hbm4b:s5+s28], $0x18000, $0x38;
	[tilespmem:$0x1A400] =	vst v63  }
0x31: {  	_ =	swait.ge [sflag:s26], $0x18000  }
0x32: {  	[sflag:s26] =	ssyncset.done $0x0  }
0x33: {  	s30 =	simm.s32 $0x1A300;
	[sflag:s26] =	ssyncadd.s32 $0xFFFE8000  }
0x34: {  	[tilespmem:s30], [sflag:$0x1] =	stream.linear.gather [hbm4b:s4+s28], $0x80, $0x38;
	[tilespmem:$0x1A400] =	vst v63  }
0x35: {  	_ =	swait.ge [sflag:s26], $0x80  }
0x36: {  	[sflag:s26] =	ssyncset.done $0x0  }
0x37: {  	s31 =	simm.s32 $0x0;
	[sflag:s26] =	ssyncadd.s32 $0xFFFFFF80  }
0x38: {  	v0 =	vld [tilespmem:s31+$0x2000]  }
0x39: {  	s3 =	simm.s32 $0x2700  }
0x3a: {  	v1 =	vld [tilespmem:s3+$0xFFFFFC00]  }
0x3b: {  	v2 =	vld [tilespmem:$0x1A300]  }
0x3c: {  	v3 =	vld [tilespmem:s3+$0xFFFFFC80]  }
0x3d: {  	v4 =	vbroadcast v0, $0x0  }
0x3e: {  	v5 =	vld [tilespmem:s3+$0xFFFFFD00]  }
0x3f: {  	v1 =	vmul.f32 v1, v4;
	v4 =	vbroadcast v0, $0x1  }
0x40: {  	v6 =	vld [tilespmem:s3+$0xFFFFFD80]  }
0x41: {  	v1 =	vadd.f32 v1, v2;
	v2 =	vmul.f32 v3, v4;
	v3 =	vbroadcast v0, $0x2  }
0x42: {  	v4 =	vld [tilespmem:s3+$0xFFFFFE00]  }
0x43: {  	v1 =	vadd.f32 v2, v1;
	v2 =	vmul.f32 v5, v3;
	v3 =	vbroadcast v0, $0x3  }
0x44: {  	v5 =	vld [tilespmem:s3+$0xFFFFFE80]  }
0x45: {  	v1 =	vadd.f32 v2, v1;
	v2 =	vmul.f32 v6, v3;
	v3 =	vbroadcast v0, $0x4  }
0x46: {  	v6 =	vld [tilespmem:s3+$0xFFFFFF00]  }
0x47: {  	v1 =	vadd.f32 v2, v1;
	v2 =	vmul.f32 v4, v3;
	v3 =	vbroadcast v0, $0x5  }
0x48: {  	v4 =	vld [tilespmem:s3+$0xFFFFFF80]  }
0x49: {  	v1 =	vadd.f32 v2, v1;
	v2 =	vmul.f32 v5, v3;
	v3 =	vbroadcast v0, $0x6  }
0x4a: {  	v5 =	vld [tilespmem:s3+$0x0]  }
0x4b: {  	v1 =	vadd.f32 v2, v1;
	v2 =	vmul.f32 v6, v3;
	v3 =	vbroadcast v0, $0x7  }
0x4c: {  	v6 =	vld [tilespmem:s3+$0x80]  }
0x4d: {  	v1 =	vadd.f32 v2, v1;
	v2 =	vmul.f32 v4, v3;
	v3 =	vbroadcast v0, $0x8  }
0x4e: {  	v4 =	vld [tilespmem:s3+$0x100]  }
0x4f: {  	v1 =	vadd.f32 v2, v1;
	v2 =	vmul.f32 v5, v3;
	v3 =	vbroadcast v0, $0x9  }
0x50: {  	v5 =	vld [tilespmem:s3+$0x180]  }
0x51: {  	v1 =	vadd.f32 v2, v1;
	v2 =	vmul.f32 v6, v3;
	v3 =	vbroadcast v0, $0xA  }
0x52: {  	v6 =	vld [tilespmem:s3+$0x200]  }
0x53: {  	v1 =	vadd.f32 v2, v1;
	v2 =	vmul.f32 v4, v3;
	v4 =	vbroadcast v0, $0xB  }
0x54: {  	v3 =	vld [tilespmem:s3+$0x280]  }
0x55: {  	v2 =	vadd.f32 v2, v1;
	v4 =	vmul.f32 v5, v4;
	v5 =	vbroadcast v0, $0xC  }
0x56: {  	v1 =	vld [tilespmem:s3+$0x300]  }
0x57: {  	s5 =	simm.s32 $0x10;
	s4 =	simm.s32 $0x80;
	v4 =	vadd.f32 v4, v2;
	v5 =	vmul.f32 v6, v5;
	v6 =	vbroadcast v0, $0xD;
	v2 =	vld [tilespmem:s3+$0x380]  }
.LBB2_4:
0x58: {  	p0 =	sne.s32 s4, $0xBC0;
	v7 =	vld [tilespmem:s5+$0x2000]  }
0x59: {  	s3 =	sadd.s32 $0x800, s3;
	v4 =	vadd.f32 v5, v4;
	v3 =	vmul.f32 v3, v6;
	v5 =	vbroadcast v0, $0xE  }
0x5a: {  	v6 =	vld [tilespmem:s3+$0xFFFFFC00]  }
0x5b: {  	v8 =	vbroadcast v0, $0xF;
	v3 =	vadd.f32 v3, v4;
	v1 =	vmul.f32 v1, v5  }
0x5c: {  	v4 =	vld [tilespmem:s3+$0xFFFFFC80]  }
0x5d: {  	v2 =	vmul.f32 v2, v8;
	v5 =	vbroadcast v7, $0x0;
	v1 =	vadd.f32 v1, v3;
	v0 =	vmovc v7  }
0x5e: {  	v3 =	vld [tilespmem:s3+$0xFFFFFD00]  }
0x5f: {  	v5 =	vmul.f32 v6, v5;
	v6 =	vbroadcast v0, $0x1;
	v1 =	vadd.f32 v2, v1  }
0x60: {  	v2 =	vld [tilespmem:s3+$0xFFFFFD80]  }
0x61: {  	v1 =	vadd.f32 v5, v1;
	v4 =	vmul.f32 v4, v6;
	v5 =	vbroadcast v0, $0x2  }
0x62: {  	v6 =	vld [tilespmem:s3+$0xFFFFFE00]  }
0x63: {  	v1 =	vadd.f32 v4, v1;
	v3 =	vmul.f32 v3, v5;
	v4 =	vbroadcast v0, $0x3  }
0x64: {  	v5 =	vld [tilespmem:s3+$0xFFFFFE80]  }
0x65: {  	v1 =	vadd.f32 v3, v1;
	v2 =	vmul.f32 v2, v4;
	v3 =	vbroadcast v0, $0x4  }
0x66: {  	v4 =	vld [tilespmem:s3+$0xFFFFFF00]  }
0x67: {  	v1 =	vadd.f32 v2, v1;
	v2 =	vmul.f32 v6, v3;
	v3 =	vbroadcast v0, $0x5  }
0x68: {  	v6 =	vld [tilespmem:s3+$0xFFFFFF80]  }
0x69: {  	v1 =	vadd.f32 v2, v1;
	v2 =	vmul.f32 v5, v3;
	v3 =	vbroadcast v0, $0x6  }
0x6a: {  	v5 =	vld [tilespmem:s3+$0x0]  }
0x6b: {  	v1 =	vadd.f32 v2, v1;
	v2 =	vmul.f32 v4, v3;
	v3 =	vbroadcast v0, $0x7  }
0x6c: {  	v4 =	vld [tilespmem:s3+$0x80]  }
0x6d: {  	v1 =	vadd.f32 v2, v1;
	v2 =	vmul.f32 v6, v3;
	v3 =	vbroadcast v0, $0x8  }
0x6e: {  	v6 =	vld [tilespmem:s3+$0x100]  }
0x6f: {  	v1 =	vadd.f32 v2, v1;
	v2 =	vmul.f32 v5, v3;
	v3 =	vbroadcast v0, $0x9  }
0x70: {  	v5 =	vld [tilespmem:s3+$0x180]  }
0x71: {  	v1 =	vadd.f32 v2, v1;
	v2 =	vmul.f32 v4, v3;
	v3 =	vbroadcast v0, $0xA  }
0x72: {  	v7 =	vld [tilespmem:s3+$0x200]  }
.Ltmp2:
0x73: {  	v4 =	vbroadcast v0, $0xB;
	v1 =	vadd.f32 v2, v1;
	v2 =	vmul.f32 v6, v3;
	(pc) =	sbr.rel @p0 .LBB2_4-.Ltmp2, $4  }
0x74: {  	v3 =	vld [tilespmem:s3+$0x280]  }
0x75: {  	v2 =	vadd.f32 v2, v1;
	v4 =	vmul.f32 v5, v4;
	v5 =	vbroadcast v0, $0xC  }
0x76: {  	v1 =	vld [tilespmem:s3+$0x300]  }
0x77: {  	s5 =	sshra.s32 s4, $0x2;
	s4 =	sadd.s32 $0x40, s4;
	v6 =	vbroadcast v0, $0xD;
	v4 =	vadd.f32 v4, v2;
	v5 =	vmul.f32 v7, v5;
	v2 =	vld [tilespmem:s3+$0x380]  }
0x78: {  	v7 =	vld [tilespmem:s5+$0x2000]  }
0x79: {  	v16 =	vbroadcast v0, $0xE;
	s3 =	sadd.s32 $0x800, s3;
	v4 =	vadd.f32 v5, v4;
	v3 =	vmul.f32 v3, v6  }
0x7a: {  	v17 =	vld [tilespmem:s3+$0xFFFFFC00]  }
0x7b: {  	v18 =	vbroadcast v0, $0xF;
	v3 =	vadd.f32 v3, v4;
	v1 =	vmul.f32 v1, v16  }
0x7c: {  	v19 =	vld [tilespmem:s3+$0xFFFFFC80]  }
0x7d: {  	v0 =	vmul.f32 v2, v18;
	v20 =	vbroadcast v7, $0x0;
	v1 =	vadd.f32 v1, v3  }
0x7e: {  	v21 =	vld [tilespmem:s3+$0xFFFFFD00]  }
0x7f: {  	v23 =	vbroadcast v7, $0x1;
	v22 =	vmul.f32 v17, v20;
	v0 =	vadd.f32 v0, v1  }
0x80: {  	v24 =	vld [tilespmem:s3+$0xFFFFFD80]  }
0x81: {  	v26 =	vbroadcast v7, $0x2;
	v25 =	vmul.f32 v19, v23;
	v0 =	vadd.f32 v22, v0  }
0x82: {  	v27 =	vld [tilespmem:s3+$0xFFFFFE00]  }
0x83: {  	v28 =	vbroadcast v7, $0x3;
	v2 =	vmul.f32 v21, v26;
	v0 =	vadd.f32 v25, v0  }
0x84: {  	v29 =	vld [tilespmem:s3+$0xFFFFFE80]  }
0x85: {  	v30 =	vbroadcast v7, $0x4;
	v1 =	vmul.f32 v24, v28;
	v0 =	vadd.f32 v2, v0  }
0x86: {  	v31 =	vld [tilespmem:s3+$0xFFFFFF00]  }
0x87: {  	v33 =	vbroadcast v7, $0x5;
	v32 =	vmul.f32 v27, v30;
	v0 =	vadd.f32 v1, v0  }
0x88: {  	v34 =	vld [tilespmem:s3+$0xFFFFFF80]  }
0x89: {  	v36 =	vbroadcast v7, $0x6;
	v35 =	vmul.f32 v29, v33;
	v0 =	vadd.f32 v32, v0  }
0x8a: {  	v37 =	vld [tilespmem:s3+$0x0]  }
0x8b: {  	v39 =	vbroadcast v7, $0x7;
	v38 =	vmul.f32 v31, v36;
	v0 =	vadd.f32 v35, v0  }
0x8c: {  	v40 =	vld [tilespmem:s3+$0x80]  }
0x8d: {  	v42 =	vbroadcast v7, $0x8;
	v41 =	vmul.f32 v34, v39;
	v0 =	vadd.f32 v38, v0  }
0x8e: {  	v43 =	vld [tilespmem:s3+$0x100]  }
0x8f: {  	v45 =	vbroadcast v7, $0x9;
	v44 =	vmul.f32 v37, v42;
	v0 =	vadd.f32 v41, v0  }
0x90: {  	v46 =	vld [tilespmem:s3+$0x180]  }
0x91: {  	v48 =	vbroadcast v7, $0xA;
	v47 =	vmul.f32 v40, v45;
	v0 =	vadd.f32 v44, v0  }
0x92: {  	v49 =	vld [tilespmem:s3+$0x200]  }
0x93: {  	v51 =	vbroadcast v7, $0xB;
	v50 =	vmul.f32 v43, v48;
	v0 =	vadd.f32 v47, v0  }
0x94: {  	v52 =	vld [tilespmem:s3+$0x280]  }
0x95: {  	v54 =	vbroadcast v7, $0xC;
	v53 =	vmul.f32 v46, v51;
	v0 =	vadd.f32 v50, v0  }
0x96: {  	v55 =	vld [tilespmem:s3+$0x300]  }
0x97: {  	v57 =	vbroadcast v7, $0xD;
	v56 =	vmul.f32 v49, v54;
	v0 =	vadd.f32 v53, v0  }
0x98: {  	v58 =	vld [tilespmem:s3+$0x380]  }
0x99: {  	v60 =	vbroadcast v7, $0xE;
	v59 =	vmul.f32 v52, v57;
	v0 =	vadd.f32 v56, v0;
	_ =	sdelay $0x1  }
0x9a: {  	v62 =	vbroadcast v7, $0xF;
	v61 =	vmul.f32 v55, v60;
	v0 =	vadd.f32 v59, v0;
	_ =	sdelay $0x1  }
0x9b: {  	v63 =	vmul.f32 v58, v62;
	v0 =	vadd.f32 v61, v0;
	_ =	sdelay $0x1  }
0x9c: {  	v0 =	vadd.f32 v63, v0;
	_ =	sdelay $0x1  }
0x9d: {  	s30 =	simm.s32 $0x0;
	s4 =	simm.s32 $0x1A380;
	s31 =	simm.s32 $0x1;
	[tilespmem:$0x1A380] =	vst v0  }
0x9e: {  	[hbm4b:s2+s30] =	stream.linear.scatter [tilespmem:s4], [sflag:$0x1], $0x80, $0x38;
	[tilespmem:$0x1A400] =	vst v63  }
0x9f: {  	_ =	swait.ge [sflag:s31], $0x80  }
0xa0: {  	[sflag:s31] =	ssyncset.done $0x0  }
0xa1: {  	[sflag:s31] =	ssyncadd.s32 $0xFFFFFF80  }
.LBB2_6:
0xa2: {  	_ =	sfence.sel $0x180000  }
0xa3: {  	[bflag:$0x0] =	sbarrier.arrive $0xFFFF  }
0xa4: {  	p0 =	sne.s32 s1, $0x0;
	_ =	strace $0x90000047  }
0xa5: {  	s0 =	sadd.s32 @!p0 $0x100000, s0;
	[bflag:$0x2] =	sbarrier.arrive $0xFFFF  }
0xa6: {  	[sflag:s0] =	ssyncadd.tile.s32 @!p0 $0x1;
	_ =	shalt  }
.Lfunc_end2:
_tile_overlayer_lowered:
.L_overlay_start_2:
0xa7: {  	(tag) =	ssettag $0x2  }
0xa8: {  	s0 =	rddreg [dreg:$0x0];
	s2 =	stileid.u32  }
0xa9: {  	s1 =	rddreg [dreg:$0x1];
	p0 =	sne.s32 s2, $0x0  }
0xaa: {  	s3 =	rddreg [dreg:$0x2];
	[bflag:$0x3] =	sbarrier.arrive $0xFFFF;
	s2 =	simm.s32 @!p0 $0x1C01  }
0xab: {  	[timem:s3], [sflag:s2] =	dma.local @!p0 [hbm:s0], s1  }
0xac: {  	s0 =	simm.s32 @!p0 $0x1  }
0xad: {  	_ =	swait.ge @!p0 [sflag:s0], s1  }
0xae: {  	s1 =	ssub.s32 @!p0 $0x0, s1;
	[sflag:s0] =	ssyncset.done @!p0 $0x0  }
0xaf: {  	[sflag:s0] =	ssyncadd.s32 @!p0 s1  }
0xb0: {  	[bflag:$0x3] =	sbarrier.arrive $0xFFFF  }
0xb1: {  	_ =	shalt  }

</sc_bundles>
